<compile_context>
chip_gen: v7x
topology: tpu7x:2x2x1
jax: 0.10.2.dev20260603
libtpu: 0.0.44.dev20260713+nightly
codegen_flags: <defaults>
</compile_context>

<pallas_src>
import functools

import jax
import jax.numpy as jnp
from jax import lax
from jax.experimental import pallas as pl
from jax.experimental.pallas import tpu as pltpu
from jax.experimental.pallas import tpu_sc as plsc

G = 2
V = 320
TB = 256


def _tc_body(x_ref, w_ref, b_ref, idx0_ref, idx1_ref, cppl_ref, pppl_ref,
             cnt_ref, psum_ref, *, n_tokens):
    pid = pl.program_id(0)
    nprog = pl.num_programs(0)

    @pl.when(pid == 0)
    def _init():
        cnt_ref[...] = jnp.zeros_like(cnt_ref)
        psum_ref[...] = jnp.zeros_like(psum_ref)

    logits = jnp.dot(x_ref[...], w_ref[...],
                     preferred_element_type=jnp.float32) + b_ref[...]

    for g, idx_ref in ((0, idx0_ref), (1, idx1_ref)):
        lg = logits[:, g * V:(g + 1) * V]
        m = jnp.max(lg, axis=-1, keepdims=True)
        iota = lax.broadcasted_iota(jnp.int32, lg.shape, 1)
        amax = jnp.min(jnp.where(lg == m, iota, V),
                       axis=-1, keepdims=True)
        idx_ref[...] = amax + g * V
        e = jnp.exp(lg - m)
        p = e / jnp.sum(e, axis=-1, keepdims=True)
        psum_ref[g:g + 1, :] += jnp.sum(p, axis=0, keepdims=True)
        onehot = (iota == amax).astype(jnp.float32)
        cnt_ref[g:g + 1, :] += jnp.sum(onehot, axis=0, keepdims=True)

    @pl.when(pid == nprog - 1)
    def _finish():
        hp = cnt_ref[0:G, :] / n_tokens
        ap = psum_ref[0:G, :] / n_tokens
        ent_h = jnp.sum(hp * jnp.log(hp + 1e-7), axis=-1, keepdims=True)
        ent_a = jnp.sum(ap * jnp.log(ap + 1e-7), axis=-1, keepdims=True)
        cppl_ref[...] = jnp.sum(jnp.exp(-ent_h), axis=0, keepdims=True)
        pppl_ref[...] = jnp.sum(jnp.exp(-ent_a), axis=0, keepdims=True)


def _tc_stage(flat, W, b2):
    n_tokens, C = flat.shape
    grid = n_tokens // TB
    body = functools.partial(_tc_body, n_tokens=float(n_tokens))
    return pl.pallas_call(
        body,
        grid=(grid,),
        in_specs=[
            pl.BlockSpec((TB, C), lambda i: (i, 0)),
            pl.BlockSpec((C, G * V), lambda i: (0, 0)),
            pl.BlockSpec((1, G * V), lambda i: (0, 0)),
        ],
        out_specs=[
            pl.BlockSpec((TB, 1), lambda i: (i, 0)),
            pl.BlockSpec((TB, 1), lambda i: (i, 0)),
            pl.BlockSpec((1, 1), lambda i: (0, 0)),
            pl.BlockSpec((1, 1), lambda i: (0, 0)),
        ],
        out_shape=[
            jax.ShapeDtypeStruct((n_tokens, 1), jnp.int32),
            jax.ShapeDtypeStruct((n_tokens, 1), jnp.int32),
            jax.ShapeDtypeStruct((1, 1), jnp.float32),
            jax.ShapeDtypeStruct((1, 1), jnp.float32),
        ],
        scratch_shapes=[
            pltpu.VMEM((8, V), jnp.float32),
            pltpu.VMEM((8, V), jnp.float32),
        ],
        compiler_params=pltpu.CompilerParams(
            dimension_semantics=("arbitrary",)),
    )(flat, W, b2)


def _sc_gather(table, idx):
    B = idx.shape[0]
    D = table.shape[1]
    info = plsc.get_sparse_core_info()
    nw = info.num_cores * info.num_subcores
    b_per_w = B // nw
    mesh = plsc.VectorSubcoreMesh(core_axis_name="c", subcore_axis_name="s")

    @functools.partial(
        pl.kernel, mesh=mesh,
        out_type=jax.ShapeDtypeStruct((B, D), jnp.float32),
        scratch_types=[
            pltpu.VMEM((b_per_w,), jnp.int32),
            pltpu.VMEM((b_per_w, D), jnp.float32),
            pltpu.SemaphoreType.DMA,
        ],
    )
    def k(table_hbm, idx_hbm, out_hbm, idx_v, rows_v, sem):
        wid = lax.axis_index("s") * info.num_cores + lax.axis_index("c")
        base = wid * b_per_w
        pltpu.sync_copy(idx_hbm.at[pl.ds(base, b_per_w)], idx_v)
        pltpu.async_copy(table_hbm.at[idx_v], rows_v, sem).wait()
        pltpu.sync_copy(rows_v, out_hbm.at[pl.ds(base, b_per_w)])

    return k(table, idx)


def kernel(x, W, b, codebook):
    bsz, tsz, fsz = x.shape
    flat = x.reshape(bsz * tsz, fsz)
    idx0, idx1, cppl, pppl = _tc_stage(flat, W, b.reshape(1, -1))
    idx = jnp.concatenate([idx0, idx1], axis=1).reshape(-1)
    table = codebook.reshape(G * V, -1)
    xq = _sc_gather(table, idx).reshape(bsz, tsz, -1)
    return xq, cppl.reshape(()), pppl.reshape(())

# --- scband reference (transcript-rebuilt; emitter-appended) ---
"""Pipeline reference for scband-gumbel-vector-quantizer-55336358642373 (READ-ONLY COPY).

The authoritative reference and input builder live on the scoring server;
editing this copy changes nothing except your own understanding.
"""

import jax, jax.numpy as jnp
import numpy as np

B, T, C = 1, 2048, 768
G, V = 2, 320
VQ = 768
VAR = VQ // G  # 384

def setup_inputs(seed: int = 0) -> dict:
    key = jax.random.key(seed)
    k1, k2, k3 = jax.random.split(key, 3)
    x = jax.random.normal(k1, (B, T, C), dtype=jnp.float32)
    # weight_proj: Linear(dim, groups*num_vars), weight init normal(0,1), bias zeros
    W = jax.random.normal(k2, (C, G * V), dtype=jnp.float32)
    b = jnp.zeros((G * V,), dtype=jnp.float32)
    # self.vars: (1, num_groups*num_vars, var_dim), uniform init (std==0)
    codebook = jax.random.uniform(k3, (1, G * V, VAR), dtype=jnp.float32)
    return {"x": x, "W": W, "b": b, "codebook": codebook}

def reference(x, W, b, codebook):
    # eval-mode forward (self.training == False): hard one-hot path
    bsz, tsz, fsz = x.shape
    flat = x.reshape(-1, fsz)
    logits = flat @ W + b                      # (B*T, G*V)
    lg = logits.reshape(bsz * tsz * G, V)
    k = jnp.argmax(lg, axis=-1)
    hard_x = jax.nn.one_hot(k, V, dtype=lg.dtype).reshape(bsz * tsz, G, V)
    hard_probs = jnp.mean(hard_x.astype(jnp.float32), axis=0)          # (G, V)
    code_perplexity = jnp.sum(jnp.exp(-jnp.sum(hard_probs * jnp.log(hard_probs + 1e-7), axis=-1)))
    avg_probs = jax.nn.softmax(lg.reshape(bsz * tsz, G, V).astype(jnp.float32), axis=-1).mean(axis=0)
    prob_perplexity = jnp.sum(jnp.exp(-jnp.sum(avg_probs * jnp.log(avg_probs + 1e-7), axis=-1)))
    # x = hard_x (eval); quantize: (x.unsqueeze(-1) * vars).view(BT,G,V,-1).sum(-2)
    cb = codebook.reshape(G, V, VAR)
    xq = jnp.einsum('tgv,gvd->tgd', hard_x, cb)   # same math as broadcast-mul + sum over V
    xq = xq.reshape(bsz, tsz, -1)                 # (B, T, vq_dim)
    return (xq, code_perplexity, prob_perplexity)

if __name__ == "__main__":
    import jax
    _d = setup_inputs()
    print(jax.jit(kernel)(*tuple(_d.values())))

</pallas_src>

<mosaic_0001>
#map = affine_map<(d0, d1) -> (0, 0)>
#map1 = affine_map<(d0, d1) -> (0)>
module attributes {stable_mosaic.version = 14 : i64} {
  func.func @k(%arg0: i32, %arg1: i32, %arg2: memref<640x384xf32, #tpu.memory_space<hbm>>, %arg3: memref<4096xi32, #tpu.memory_space<hbm>>, %arg4: memref<4096x384xf32, #tpu.memory_space<hbm>>, %arg5: memref<128xi32, #tpu.memory_space<vmem>>, %arg6: memref<128x384xf32, #tpu.memory_space<vmem>>, %arg7: memref<!tpu.dma_semaphore, #tpu.memory_space<semaphore_mem>>) attributes {dimension_semantics = [#tpu.dimension_semantics<core_parallel>, #tpu.dimension_semantics<subcore_parallel>], iteration_bounds = array<i64: 2, 16>, scalar_prefetch = 0 : i64, scratch_operands = 3 : i64, tpu.core_type = #tpu.core_type<sc_vector_subcore>, window_params = [{transform_indices = #map}, {transform_indices = #map1}, {transform_indices = #map}]} {
    %mul3A = arith.constant 2 : i32
    %mul3A_0 = arith.muli %arg1, %mul3A : i32
    %add3A = arith.addi %mul3A_0, %arg0 : i32
    %mul3A_1 = arith.constant 128 : i32
    %mul3A_2 = arith.muli %add3A, %mul3A_1 : i32
    "tpu.region"() ({
      %run_scoped3A = tpu.sem_alloc : memref<!tpu.dma_semaphore, #tpu.memory_space<semaphore_mem>>
      %dma_start3A_7 = tpu.memref_slice %arg3[%mul3A_2] : memref<4096xi32, #tpu.memory_space<hbm>> -> memref<128xi32, #tpu.memory_space<hbm>>
      %dma_start3A_8 = tpu.memref_slice %arg3[%mul3A_2] : memref<4096xi32, #tpu.memory_space<hbm>> -> memref<128xi32, #tpu.memory_space<hbm>>
      tpu.enqueue_dma source(%dma_start3A_8 : memref<128xi32, #tpu.memory_space<hbm>>) target(%arg5 : memref<128xi32, #tpu.memory_space<vmem>>) target_semaphore(%run_scoped3A : memref<!tpu.dma_semaphore, #tpu.memory_space<semaphore_mem>>)
      %dma_wait3A_9 = tpu.memref_slice %arg3[%mul3A_2] : memref<4096xi32, #tpu.memory_space<hbm>> -> memref<128xi32, #tpu.memory_space<hbm>>
      %dma_wait3A_10 = tpu.memref_slice %arg3[%mul3A_2] : memref<4096xi32, #tpu.memory_space<hbm>> -> memref<128xi32, #tpu.memory_space<hbm>>
      tpu.wait_dma2 semaphore(%run_scoped3A : memref<!tpu.dma_semaphore, #tpu.memory_space<semaphore_mem>>) src(%dma_wait3A_10 : memref<128xi32, #tpu.memory_space<hbm>>) dst(%arg5 : memref<128xi32, #tpu.memory_space<vmem>>)
      tpu.yield
    }) : () -> ()
    %dma_start3A = arith.constant 0 : i32
    %dma_start3A_3 = arith.constant 0 : i32
    %dma_start3A_4 = tpu.memref_slice %arg2[%dma_start3A, %dma_start3A_3] : memref<640x384xf32, #tpu.memory_space<hbm>> -> memref<640x384xf32, #tpu.memory_space<hbm>>
    tpu.enqueue_indirect_dma source(%dma_start3A_4 : memref<640x384xf32, #tpu.memory_space<hbm>>) target(%arg6 : memref<128x384xf32, #tpu.memory_space<vmem>>) offsets(%arg5 : memref<128xi32, #tpu.memory_space<vmem>>) semaphore(%arg7 : memref<!tpu.dma_semaphore, #tpu.memory_space<semaphore_mem>>)
    %dma_wait3A = arith.constant 0 : i32
    %dma_wait3A_5 = arith.constant 0 : i32
    %dma_wait3A_6 = tpu.memref_slice %arg2[%dma_wait3A, %dma_wait3A_5] : memref<640x384xf32, #tpu.memory_space<hbm>> -> memref<640x384xf32, #tpu.memory_space<hbm>>
    tpu.wait_indirect_dma semaphore(%arg7 : memref<!tpu.dma_semaphore, #tpu.memory_space<semaphore_mem>>) src(%dma_wait3A_6 : memref<640x384xf32, #tpu.memory_space<hbm>>) dst(%arg6 : memref<128x384xf32, #tpu.memory_space<vmem>>)
    "tpu.region"() ({
      %run_scoped3A = tpu.sem_alloc : memref<!tpu.dma_semaphore, #tpu.memory_space<semaphore_mem>>
      %dma_start3A_7 = arith.constant 0 : i32
      %dma_start3A_8 = tpu.memref_slice %arg4[%mul3A_2, %dma_start3A_7] : memref<4096x384xf32, #tpu.memory_space<hbm>> -> memref<128x384xf32, #tpu.memory_space<hbm>>
      %dma_start3A_9 = arith.constant 0 : i32
      %dma_start3A_10 = tpu.memref_slice %arg4[%mul3A_2, %dma_start3A_9] : memref<4096x384xf32, #tpu.memory_space<hbm>> -> memref<128x384xf32, #tpu.memory_space<hbm>>
      tpu.enqueue_dma source(%arg6 : memref<128x384xf32, #tpu.memory_space<vmem>>) target(%dma_start3A_10 : memref<128x384xf32, #tpu.memory_space<hbm>>) target_semaphore(%run_scoped3A : memref<!tpu.dma_semaphore, #tpu.memory_space<semaphore_mem>>)
      %dma_wait3A_11 = arith.constant 0 : i32
      %dma_wait3A_12 = tpu.memref_slice %arg4[%mul3A_2, %dma_wait3A_11] : memref<4096x384xf32, #tpu.memory_space<hbm>> -> memref<128x384xf32, #tpu.memory_space<hbm>>
      %dma_wait3A_13 = arith.constant 0 : i32
      %dma_wait3A_14 = tpu.memref_slice %arg4[%mul3A_2, %dma_wait3A_13] : memref<4096x384xf32, #tpu.memory_space<hbm>> -> memref<128x384xf32, #tpu.memory_space<hbm>>
      tpu.wait_dma2 semaphore(%run_scoped3A : memref<!tpu.dma_semaphore, #tpu.memory_space<semaphore_mem>>) src(%arg6 : memref<128x384xf32, #tpu.memory_space<vmem>>) dst(%dma_wait3A_14 : memref<128x384xf32, #tpu.memory_space<hbm>>)
      tpu.yield
    }) : () -> ()
    return
  }
}

module attributes {stable_mosaic.version = 14 : i64} {
  func.func @_tc_body(%arg0: i32, %arg1: memref<256x768xf32, #tpu.memory_space<vmem>>, %arg2: memref<768x640xf32, #tpu.memory_space<vmem>>, %arg3: memref<1x640xf32, #tpu.memory_space<vmem>>, %arg4: memref<256x1xi32, #tpu.memory_space<vmem>>, %arg5: memref<256x1xi32, #tpu.memory_space<vmem>>, %arg6: memref<1x1xf32, #tpu.memory_space<vmem>>, %arg7: memref<1x1xf32, #tpu.memory_space<vmem>>, %arg8: memref<8x320xf32, #tpu.memory_space<vmem>>, %arg9: memref<8x320xf32, #tpu.memory_space<vmem>>) attributes {dimension_semantics = [#tpu.dimension_semantics<arbitrary>], iteration_bounds = array<i64: 8>, scalar_prefetch = 0 : i64, scratch_operands = 2 : i64, tpu.core_type = #tpu.core_type<tc>, window_params = [{transform_indices = @transform_0, window_bounds = array<i64: 256, 768>}, {pipeline_mode = #tpu.pipeline_mode<synchronous>, transform_indices = @transform_1, window_bounds = array<i64: 768, 640>}, {pipeline_mode = #tpu.pipeline_mode<synchronous>, transform_indices = @transform_2, window_bounds = array<i64: 1, 640>}, {transform_indices = @transform_3, window_bounds = array<i64: 256, 1>}, {transform_indices = @transform_4, window_bounds = array<i64: 256, 1>}, {pipeline_mode = #tpu.pipeline_mode<synchronous>, transform_indices = @transform_5, window_bounds = array<i64: 1, 1>}, {pipeline_mode = #tpu.pipeline_mode<synchronous>, transform_indices = @transform_6, window_bounds = array<i64: 1, 1>}]} {
    %eq3A = arith.constant 0 : i32
    %eq3A_0 = arith.cmpi eq, %arg0, %eq3A : i32
    %convert_element_type3A = arith.extui %eq3A_0 : i1 to i32
    %cond3A = arith.constant 0 : i32
    %cond3A_1 = arith.cmpi ne, %convert_element_type3A, %cond3A : i32
    scf.if %cond3A_1 {
      %broadcast_in_dim3A_107 = arith.constant 0.000000e+00 : f32
      %broadcast_in_dim3A_108 = vector.broadcast %broadcast_in_dim3A_107 : f32 to vector<8x320xf32>
      %swap3A_109 = arith.constant 0 : index
      %swap3A_110 = arith.constant 0 : index
      %swap3A_111 = vector.load %arg8[%swap3A_109, %swap3A_110] : memref<8x320xf32, #tpu.memory_space<vmem>>, vector<8x320xf32>
      tpu.vector_store %arg8[%swap3A_109, %swap3A_110], %broadcast_in_dim3A_108 {strides = array<i32>} : memref<8x320xf32, #tpu.memory_space<vmem>>, vector<8x320xf32>,
      %broadcast_in_dim3A_112 = arith.constant 0.000000e+00 : f32
      %broadcast_in_dim3A_113 = vector.broadcast %broadcast_in_dim3A_112 : f32 to vector<8x320xf32>
      %swap3A_114 = arith.constant 0 : index
      %swap3A_115 = arith.constant 0 : index
      %swap3A_116 = vector.load %arg9[%swap3A_114, %swap3A_115] : memref<8x320xf32, #tpu.memory_space<vmem>>, vector<8x320xf32>
      tpu.vector_store %arg9[%swap3A_114, %swap3A_115], %broadcast_in_dim3A_113 {strides = array<i32>} : memref<8x320xf32, #tpu.memory_space<vmem>>, vector<8x320xf32>,
    } else {
    }
    %get3A = arith.constant 0 : index
    %get3A_2 = arith.constant 0 : index
    %get3A_3 = vector.load %arg1[%get3A, %get3A_2] : memref<256x768xf32, #tpu.memory_space<vmem>>, vector<256x768xf32>
    %get3A_4 = arith.constant 0 : index
    %get3A_5 = arith.constant 0 : index
    %get3A_6 = vector.load %arg2[%get3A_4, %get3A_5] : memref<768x640xf32, #tpu.memory_space<vmem>>, vector<768x640xf32>
    %dot_general3A = arith.constant dense<0.000000e+00> : vector<256x640xf32>
    %dot_general3A_7 = tpu.matmul %get3A_3, %get3A_6, %dot_general3A {dimension_numbers = #tpu.dot_dimension_numbers<[1], [0], [0], [1], [0, 0, 1, 1], [], []>, transpose_lhs_hint = false} : vector<256x768xf32>, vector<768x640xf32>, vector<256x640xf32> -> vector<256x640xf32>
    %get3A_8 = arith.constant 0 : index
    %get3A_9 = arith.constant 0 : index
    %get3A_10 = vector.load %arg3[%get3A_8, %get3A_9] : memref<1x640xf32, #tpu.memory_space<vmem>>, vector<1x640xf32>
    %add3A = vector.broadcast %get3A_10 : vector<1x640xf32> to vector<256x640xf32>
    %add3A_11 = arith.addf %dot_general3A_7, %add3A : vector<256x640xf32>
    %slice3A = vector.extract_strided_slice %add3A_11 {offsets = [0, 0], sizes = [256, 320], strides = [1, 1]} : vector<256x640xf32> to vector<256x320xf32>
    %reduce_max3A = arith.constant dense<0xFF800000> : vector<256xf32>
    %reduce_max3A_12 = vector.multi_reduction <maximumf>, %slice3A, %reduce_max3A [1] : vector<256x320xf32> to vector<256xf32>
    %broadcast_in_dim3A = vector.shape_cast %reduce_max3A_12 : vector<256xf32> to vector<256x1xf32>
    %iota3A = tpu.iota {dimensions = array<i32: 1>} : vector<256x320xi32>
    %eq3A_13 = vector.broadcast %broadcast_in_dim3A : vector<256x1xf32> to vector<256x320xf32>
    %eq3A_14 = arith.cmpf oeq, %slice3A, %eq3A_13 : vector<256x320xf32>
    %jit3A = arith.constant 320 : i32
    %broadcast_in_dim3A_15 = vector.broadcast %jit3A : i32 to vector<256x320xi32>
    %select_n3A = arith.select %eq3A_14, %iota3A, %broadcast_in_dim3A_15 : vector<256x320xi1>, vector<256x320xi32>
    %reduce_min3A = arith.constant dense<2147483647> : vector<256xi32>
    %reduce_min3A_16 = vector.multi_reduction <minsi>, %select_n3A, %reduce_min3A [1] : vector<256x320xi32> to vector<256xi32>
    %broadcast_in_dim3A_17 = vector.shape_cast %reduce_min3A_16 : vector<256xi32> to vector<256x1xi32>
    %add3A_18 = arith.constant 0 : i32
    %add3A_19 = vector.broadcast %add3A_18 : i32 to vector<256x1xi32>
    %add3A_20 = arith.addi %broadcast_in_dim3A_17, %add3A_19 : vector<256x1xi32>
    %swap3A = arith.constant 0 : index
    %swap3A_21 = arith.constant 0 : index
    %swap3A_22 = vector.load %arg4[%swap3A, %swap3A_21] : memref<256x1xi32, #tpu.memory_space<vmem>>, vector<256x1xi32>
    tpu.vector_store %arg4[%swap3A, %swap3A_21], %add3A_20 {strides = array<i32>} : memref<256x1xi32, #tpu.memory_space<vmem>>, vector<256x1xi32>,
    %sub3A = vector.broadcast %broadcast_in_dim3A : vector<256x1xf32> to vector<256x320xf32>
    %sub3A_23 = arith.subf %slice3A, %sub3A : vector<256x320xf32>
    %exp3A = math.exp %sub3A_23 : vector<256x320xf32>
    %reduce_sum3A = arith.constant dense<0.000000e+00> : vector<256xf32>
    %reduce_sum3A_24 = vector.multi_reduction <add>, %exp3A, %reduce_sum3A [1] : vector<256x320xf32> to vector<256xf32>
    %broadcast_in_dim3A_25 = vector.shape_cast %reduce_sum3A_24 : vector<256xf32> to vector<256x1xf32>
    %div3A = vector.broadcast %broadcast_in_dim3A_25 : vector<256x1xf32> to vector<256x320xf32>
    %div3A_26 = arith.divf %exp3A, %div3A : vector<256x320xf32>
    %get3A_27 = arith.constant 0 : index
    %get3A_28 = arith.constant 0 : index
    %get3A_29 = vector.load %arg9[%get3A_27, %get3A_28] : memref<8x320xf32, #tpu.memory_space<vmem>>, vector<1x320xf32>
    %reduce_sum3A_30 = arith.constant dense<0.000000e+00> : vector<320xf32>
    %reduce_sum3A_31 = vector.multi_reduction <add>, %div3A_26, %reduce_sum3A_30 [0] : vector<256x320xf32> to vector<320xf32>
    %broadcast_in_dim3A_32 = vector.shape_cast %reduce_sum3A_31 : vector<320xf32> to vector<1x320xf32>
    %add3A_33 = arith.addf %get3A_29, %broadcast_in_dim3A_32 : vector<1x320xf32>
    %swap3A_34 = arith.constant 0 : index
    %swap3A_35 = arith.constant 0 : index
    %swap3A_36 = vector.load %arg9[%swap3A_34, %swap3A_35] : memref<8x320xf32, #tpu.memory_space<vmem>>, vector<1x320xf32>
    tpu.vector_store %arg9[%swap3A_34, %swap3A_35], %add3A_33 {strides = array<i32>} : memref<8x320xf32, #tpu.memory_space<vmem>>, vector<1x320xf32>,
    %eq3A_37 = vector.broadcast %broadcast_in_dim3A_17 : vector<256x1xi32> to vector<256x320xi32>
    %eq3A_38 = arith.cmpi eq, %iota3A, %eq3A_37 : vector<256x320xi32>
    %convert_element_type3A_39 = arith.extui %eq3A_38 : vector<256x320xi1> to vector<256x320xi32>
    %convert_element_type3A_40 = arith.sitofp %convert_element_type3A_39 : vector<256x320xi32> to vector<256x320xf32>
    %get3A_41 = arith.constant 0 : index
    %get3A_42 = arith.constant 0 : index
    %get3A_43 = vector.load %arg8[%get3A_41, %get3A_42] : memref<8x320xf32, #tpu.memory_space<vmem>>, vector<1x320xf32>
    %reduce_sum3A_44 = arith.constant dense<0.000000e+00> : vector<320xf32>
    %reduce_sum3A_45 = vector.multi_reduction <add>, %convert_element_type3A_40, %reduce_sum3A_44 [0] : vector<256x320xf32> to vector<320xf32>
    %broadcast_in_dim3A_46 = vector.shape_cast %reduce_sum3A_45 : vector<320xf32> to vector<1x320xf32>
    %add3A_47 = arith.addf %get3A_43, %broadcast_in_dim3A_46 : vector<1x320xf32>
    %swap3A_48 = arith.constant 0 : index
    %swap3A_49 = arith.constant 0 : index
    %swap3A_50 = vector.load %arg8[%swap3A_48, %swap3A_49] : memref<8x320xf32, #tpu.memory_space<vmem>>, vector<1x320xf32>
    tpu.vector_store %arg8[%swap3A_48, %swap3A_49], %add3A_47 {strides = array<i32>} : memref<8x320xf32, #tpu.memory_space<vmem>>, vector<1x320xf32>,
    %slice3A_51 = vector.extract_strided_slice %add3A_11 {offsets = [0, 320], sizes = [256, 320], strides = [1, 1]} : vector<256x640xf32> to vector<256x320xf32>
    %reduce_max3A_52 = arith.constant dense<0xFF800000> : vector<256xf32>
    %reduce_max3A_53 = vector.multi_reduction <maximumf>, %slice3A_51, %reduce_max3A_52 [1] : vector<256x320xf32> to vector<256xf32>
    %broadcast_in_dim3A_54 = vector.shape_cast %reduce_max3A_53 : vector<256xf32> to vector<256x1xf32>
    %iota3A_55 = tpu.iota {dimensions = array<i32: 1>} : vector<256x320xi32>
    %eq3A_56 = vector.broadcast %broadcast_in_dim3A_54 : vector<256x1xf32> to vector<256x320xf32>
    %eq3A_57 = arith.cmpf oeq, %slice3A_51, %eq3A_56 : vector<256x320xf32>
    %jit3A_58 = arith.constant 320 : i32
    %broadcast_in_dim3A_59 = vector.broadcast %jit3A_58 : i32 to vector<256x320xi32>
    %select_n3A_60 = arith.select %eq3A_57, %iota3A_55, %broadcast_in_dim3A_59 : vector<256x320xi1>, vector<256x320xi32>
    %reduce_min3A_61 = arith.constant dense<2147483647> : vector<256xi32>
    %reduce_min3A_62 = vector.multi_reduction <minsi>, %select_n3A_60, %reduce_min3A_61 [1] : vector<256x320xi32> to vector<256xi32>
    %broadcast_in_dim3A_63 = vector.shape_cast %reduce_min3A_62 : vector<256xi32> to vector<256x1xi32>
    %add3A_64 = arith.constant 320 : i32
    %add3A_65 = vector.broadcast %add3A_64 : i32 to vector<256x1xi32>
    %add3A_66 = arith.addi %broadcast_in_dim3A_63, %add3A_65 : vector<256x1xi32>
    %swap3A_67 = arith.constant 0 : index
    %swap3A_68 = arith.constant 0 : index
    %swap3A_69 = vector.load %arg5[%swap3A_67, %swap3A_68] : memref<256x1xi32, #tpu.memory_space<vmem>>, vector<256x1xi32>
    tpu.vector_store %arg5[%swap3A_67, %swap3A_68], %add3A_66 {strides = array<i32>} : memref<256x1xi32, #tpu.memory_space<vmem>>, vector<256x1xi32>,
    %sub3A_70 = vector.broadcast %broadcast_in_dim3A_54 : vector<256x1xf32> to vector<256x320xf32>
    %sub3A_71 = arith.subf %slice3A_51, %sub3A_70 : vector<256x320xf32>
    %exp3A_72 = math.exp %sub3A_71 : vector<256x320xf32>
    %reduce_sum3A_73 = arith.constant dense<0.000000e+00> : vector<256xf32>
    %reduce_sum3A_74 = vector.multi_reduction <add>, %exp3A_72, %reduce_sum3A_73 [1] : vector<256x320xf32> to vector<256xf32>
    %broadcast_in_dim3A_75 = vector.shape_cast %reduce_sum3A_74 : vector<256xf32> to vector<256x1xf32>
    %div3A_76 = vector.broadcast %broadcast_in_dim3A_75 : vector<256x1xf32> to vector<256x320xf32>
    %div3A_77 = arith.divf %exp3A_72, %div3A_76 : vector<256x320xf32>
    %get3A_78 = arith.constant 1 : index
    %get3A_79 = arith.constant 0 : index
    %get3A_80 = vector.load %arg9[%get3A_78, %get3A_79] : memref<8x320xf32, #tpu.memory_space<vmem>>, vector<1x320xf32>
    %reduce_sum3A_81 = arith.constant dense<0.000000e+00> : vector<320xf32>
    %reduce_sum3A_82 = vector.multi_reduction <add>, %div3A_77, %reduce_sum3A_81 [0] : vector<256x320xf32> to vector<320xf32>
    %broadcast_in_dim3A_83 = vector.shape_cast %reduce_sum3A_82 : vector<320xf32> to vector<1x320xf32>
    %add3A_84 = arith.addf %get3A_80, %broadcast_in_dim3A_83 : vector<1x320xf32>
    %swap3A_85 = arith.constant 1 : index
    %swap3A_86 = arith.constant 0 : index
    %swap3A_87 = vector.load %arg9[%swap3A_85, %swap3A_86] : memref<8x320xf32, #tpu.memory_space<vmem>>, vector<1x320xf32>
    tpu.vector_store %arg9[%swap3A_85, %swap3A_86], %add3A_84 {strides = array<i32>} : memref<8x320xf32, #tpu.memory_space<vmem>>, vector<1x320xf32>,
    %eq3A_88 = vector.broadcast %broadcast_in_dim3A_63 : vector<256x1xi32> to vector<256x320xi32>
    %eq3A_89 = arith.cmpi eq, %iota3A_55, %eq3A_88 : vector<256x320xi32>
    %convert_element_type3A_90 = arith.extui %eq3A_89 : vector<256x320xi1> to vector<256x320xi32>
    %convert_element_type3A_91 = arith.sitofp %convert_element_type3A_90 : vector<256x320xi32> to vector<256x320xf32>
    %get3A_92 = arith.constant 1 : index
    %get3A_93 = arith.constant 0 : index
    %get3A_94 = vector.load %arg8[%get3A_92, %get3A_93] : memref<8x320xf32, #tpu.memory_space<vmem>>, vector<1x320xf32>
    %reduce_sum3A_95 = arith.constant dense<0.000000e+00> : vector<320xf32>
    %reduce_sum3A_96 = vector.multi_reduction <add>, %convert_element_type3A_91, %reduce_sum3A_95 [0] : vector<256x320xf32> to vector<320xf32>
    %broadcast_in_dim3A_97 = vector.shape_cast %reduce_sum3A_96 : vector<320xf32> to vector<1x320xf32>
    %add3A_98 = arith.addf %get3A_94, %broadcast_in_dim3A_97 : vector<1x320xf32>
    %swap3A_99 = arith.constant 1 : index
    %swap3A_100 = arith.constant 0 : index
    %swap3A_101 = vector.load %arg8[%swap3A_99, %swap3A_100] : memref<8x320xf32, #tpu.memory_space<vmem>>, vector<1x320xf32>
    tpu.vector_store %arg8[%swap3A_99, %swap3A_100], %add3A_98 {strides = array<i32>} : memref<8x320xf32, #tpu.memory_space<vmem>>, vector<1x320xf32>,
    %eq3A_102 = arith.constant 7 : i32
    %eq3A_103 = arith.cmpi eq, %arg0, %eq3A_102 : i32
    %convert_element_type3A_104 = arith.extui %eq3A_103 : i1 to i32
    %cond3A_105 = arith.constant 0 : i32
    %cond3A_106 = arith.cmpi ne, %convert_element_type3A_104, %cond3A_105 : i32
    scf.if %cond3A_106 {
      %get3A_107 = arith.constant 0 : index
      %get3A_108 = arith.constant 0 : index
      %get3A_109 = vector.load %arg8[%get3A_107, %get3A_108] : memref<8x320xf32, #tpu.memory_space<vmem>>, vector<2x320xf32>
      %div3A_110 = arith.constant 2.048000e+03 : f32
      %div3A_111 = vector.broadcast %div3A_110 : f32 to vector<2x320xf32>
      %div3A_112 = arith.divf %get3A_109, %div3A_111 : vector<2x320xf32>
      %get3A_113 = arith.constant 0 : index
      %get3A_114 = arith.constant 0 : index
      %get3A_115 = vector.load %arg9[%get3A_113, %get3A_114] : memref<8x320xf32, #tpu.memory_space<vmem>>, vector<2x320xf32>
      %div3A_116 = arith.constant 2.048000e+03 : f32
      %div3A_117 = vector.broadcast %div3A_116 : f32 to vector<2x320xf32>
      %div3A_118 = arith.divf %get3A_115, %div3A_117 : vector<2x320xf32>
      %add3A_119 = arith.constant 1.000000e-07 : f32
      %add3A_120 = vector.broadcast %add3A_119 : f32 to vector<2x320xf32>
      %add3A_121 = arith.addf %div3A_112, %add3A_120 : vector<2x320xf32>
      %log3A = math.log %add3A_121 : vector<2x320xf32>
      %mul3A = arith.mulf %div3A_112, %log3A : vector<2x320xf32>
      %reduce_sum3A_122 = arith.constant dense<0.000000e+00> : vector<2xf32>
      %reduce_sum3A_123 = vector.multi_reduction <add>, %mul3A, %reduce_sum3A_122 [1] : vector<2x320xf32> to vector<2xf32>
      %broadcast_in_dim3A_124 = vector.shape_cast %reduce_sum3A_123 : vector<2xf32> to vector<2x1xf32>
      %add3A_125 = arith.constant 1.000000e-07 : f32
      %add3A_126 = vector.broadcast %add3A_125 : f32 to vector<2x320xf32>
      %add3A_127 = arith.addf %div3A_118, %add3A_126 : vector<2x320xf32>
      %log3A_128 = math.log %add3A_127 : vector<2x320xf32>
      %mul3A_129 = arith.mulf %div3A_118, %log3A_128 : vector<2x320xf32>
      %reduce_sum3A_130 = arith.constant dense<0.000000e+00> : vector<2xf32>
      %reduce_sum3A_131 = vector.multi_reduction <add>, %mul3A_129, %reduce_sum3A_130 [1] : vector<2x320xf32> to vector<2xf32>
      %broadcast_in_dim3A_132 = vector.shape_cast %reduce_sum3A_131 : vector<2xf32> to vector<2x1xf32>
      %neg3A = arith.constant 0.000000e+00 : f32
      %neg3A_133 = vector.broadcast %neg3A : f32 to vector<2x1xf32>
      %neg3A_134 = arith.subf %neg3A_133, %broadcast_in_dim3A_124 : vector<2x1xf32>
      %exp3A_135 = math.exp %neg3A_134 : vector<2x1xf32>
      %reduce_sum3A_136 = arith.constant dense<0.000000e+00> : vector<1xf32>
      %reduce_sum3A_137 = vector.multi_reduction <add>, %exp3A_135, %reduce_sum3A_136 [0] : vector<2x1xf32> to vector<1xf32>
      %broadcast_in_dim3A_138 = vector.shape_cast %reduce_sum3A_137 : vector<1xf32> to vector<1x1xf32>
      %swap3A_139 = arith.constant 0 : index
      %swap3A_140 = arith.constant 0 : index
      %swap3A_141 = vector.load %arg6[%swap3A_139, %swap3A_140] : memref<1x1xf32, #tpu.memory_space<vmem>>, vector<1x1xf32>
      tpu.vector_store %arg6[%swap3A_139, %swap3A_140], %broadcast_in_dim3A_138 {strides = array<i32>} : memref<1x1xf32, #tpu.memory_space<vmem>>, vector<1x1xf32>,
      %neg3A_142 = arith.constant 0.000000e+00 : f32
      %neg3A_143 = vector.broadcast %neg3A_142 : f32 to vector<2x1xf32>
      %neg3A_144 = arith.subf %neg3A_143, %broadcast_in_dim3A_132 : vector<2x1xf32>
      %exp3A_145 = math.exp %neg3A_144 : vector<2x1xf32>
      %reduce_sum3A_146 = arith.constant dense<0.000000e+00> : vector<1xf32>
      %reduce_sum3A_147 = vector.multi_reduction <add>, %exp3A_145, %reduce_sum3A_146 [0] : vector<2x1xf32> to vector<1xf32>
      %broadcast_in_dim3A_148 = vector.shape_cast %reduce_sum3A_147 : vector<1xf32> to vector<1x1xf32>
      %swap3A_149 = arith.constant 0 : index
      %swap3A_150 = arith.constant 0 : index
      %swap3A_151 = vector.load %arg7[%swap3A_149, %swap3A_150] : memref<1x1xf32, #tpu.memory_space<vmem>>, vector<1x1xf32>
      tpu.vector_store %arg7[%swap3A_149, %swap3A_150], %broadcast_in_dim3A_148 {strides = array<i32>} : memref<1x1xf32, #tpu.memory_space<vmem>>, vector<1x1xf32>,
    } else {
    }
    return
  }
  func.func @transform_0(%arg0: i32) -> (i32, i32) {
    %c0_i32 = arith.constant 0 : i32
    %c0_i32_0 = arith.constant 0 : i32
    return %arg0, %c0_i32 : i32, i32
  }
  func.func @transform_1(%arg0: i32) -> (i32, i32) {
    %c0_i32 = arith.constant 0 : i32
    %c0_i32_0 = arith.constant 0 : i32
    %c0_i32_1 = arith.constant 0 : i32
    return %c0_i32, %c0_i32_0 : i32, i32
  }
  func.func @transform_2(%arg0: i32) -> (i32, i32) {
    %c0_i32 = arith.constant 0 : i32
    %c0_i32_0 = arith.constant 0 : i32
    %c0_i32_1 = arith.constant 0 : i32
    return %c0_i32, %c0_i32_0 : i32, i32
  }
  func.func @transform_3(%arg0: i32) -> (i32, i32) {
    %c0_i32 = arith.constant 0 : i32
    %c0_i32_0 = arith.constant 0 : i32
    return %arg0, %c0_i32 : i32, i32
  }
  func.func @transform_4(%arg0: i32) -> (i32, i32) {
    %c0_i32 = arith.constant 0 : i32
    %c0_i32_0 = arith.constant 0 : i32
    return %arg0, %c0_i32 : i32, i32
  }
  func.func @transform_5(%arg0: i32) -> (i32, i32) {
    %c0_i32 = arith.constant 0 : i32
    %c0_i32_0 = arith.constant 0 : i32
    %c0_i32_1 = arith.constant 0 : i32
    return %c0_i32, %c0_i32_0 : i32, i32
  }
  func.func @transform_6(%arg0: i32) -> (i32, i32) {
    %c0_i32 = arith.constant 0 : i32
    %c0_i32_0 = arith.constant 0 : i32
    %c0_i32_1 = arith.constant 0 : i32
    return %c0_i32, %c0_i32_0 : i32, i32
  }
}

</mosaic_0001>

<sc_bundles>
// kernel: kernel.4.cloned.1.call-start
scs
__scs_entry_jumppad:
0x0: {  	(pc) =	sbr.rel $0x88, $3  }
0x1: {  	(tag) =	ssettag $0x0;
	lr =	simm.s32 $0x1  }
0x2: {  	[smem:$0x3F9D] =	sst lr;
	_ =	strace $0xD0000000  }
0x3: {  	_ = 	snop  }
0x4: {  	_ = 	snop  }
0x5: {  	_ = 	snop  }
0x6: {  	_ = 	snop  }
0x7: {  	_ = 	snop  }
__scs_overlays_trampoline_lowered:
0x8: {  	[smem:$0x3FAC] =	sst s0  }
0x9: {  	[smem:$0x3FAD] =	sst s1  }
0xa: {  	[smem:$0x3FAE] =	sst s2  }
0xb: {  	[smem:$0x3FAF] =	sst s3  }
0xc: {  	[smem:$0x3FB0] =	sst s4  }
0xd: {  	[smem:$0x3FB1] =	sst s5  }
0xe: {  	[smem:$0x3FB2] =	sst s6  }
0xf: {  	[smem:$0x3FB3] =	sst s7  }
0x10: {  	[smem:$0x3FB4] =	sst s8  }
0x11: {  	[smem:$0x3FB5] =	sst s9;
	s0 =	simm.s32 @!p0 $0x0  }
0x12: {  	s1 =	sld [smem:$0x3F9B];
	s0 =	simm.s32 @p0 $0x1  }
0x13: {  	[smem:$0x3FB6] =	sst s0;
	s0 =	simm.s32 @!p1 $0x0  }
0x14: {  	s2 =	sld [smem:$0x3F9A];
	s0 =	simm.s32 @p1 $0x1  }
0x15: {  	[smem:$0x3FB7] =	sst s0;
	s0 =	simm.s32 @!p2 $0x0  }
0x16: {  	s3 =	sld [smem:$0x3FDB];
	s0 =	simm.s32 @p2 $0x1  }
0x17: {  	s4 =	simm.s32 $0x1BF5;
	[smem:$0x3FB9] =	sst s0  }
0x18: {  	s0 =	sld [smem:$0x3F9C];
	_ =	swait.ge [sflag:s4], $0x0  }
0x19: {  	s7 =	sld [smem:$0x3F9D]  }
0x1a: {  	s8 =	sadd.s32 $0xFFFFE003, lr  }
0x1b: {  	s9 =	sadd.s32 $0xFFFFFEF7, lr;
	s5 =	simm.s32 $0xFFFFFFFF;
	p2 =	slt.u32 s8, $0xFFFFF086  }
0x1c: {  	p1 =	slt.u32 s9, $0xF7A;
	s5 =	simm.s32 @!p2 $0x0  }
0x1d: {  	s5 =	simm.s32 @p1 $0x1;
	p0 =	seq.s32 s7, s2  }
0x1e: {  	s7 =	smul.u32 @!p0 $0xF7A, s2;
	p2 =	seq.s32 @!p0 s5, $0x0  }
0x1f: {  	s9 =	smul.u32 $0xF7A, s1;
	s8 =	simm.s32 @!p0 $0x1BF5;
	p2 =	por !p2, p0  }
0x20: {  	[sflag:s8] =	ssyncset.s32 @!p0 $0xFFFFF086;
	s6 =	sadd.s32 @!p0 s3, s7;
	s7 =	simm.s32 @!p0 $0x108  }
0x21: {  	s3 =	sadd.s32 s3, s9;
	s6 =	sadd.s32 @!p0 $0x88, s6;
	s7 =	simm.s32 @p2 $0x1082  }
0x22: {  	[simem:s7], [sflag:s8] =	dma.local @!p0 [hbm:s6], $0xF7A  }
0x23: {  	s9 =	sor.u32 $0xD0000000, s2;
	s6 =	simm.s32 $0x108;
	_ =	swait.ge @!p0 [sflag:s8], $0x0  }
0x24: {  	s3 =	sadd.s32 $0x88, s3;
	s6 =	simm.s32 @!p1 $0x1082;
	[sflag:s4] =	ssyncset.s32 $0xFFFFF086  }
0x25: {  	[simem:s6], [sflag:s4] =	dma.local [hbm:s3], $0xF7A  }
0x26: {  	[smem:$0x3F9D] =	sst s1;
	(tag) =	ssettag s2;
	_ =	strace s9  }
0x27: {  	s1 =	sld [smem:$0x3FAD]  }
0x28: {  	s2 =	sld [smem:$0x3FAE]  }
0x29: {  	s4 =	sld [smem:$0x3FB0]  }
0x2a: {  	p0 =	seq.s32 s5, $0x0;
	s5 =	sld [smem:$0x3FB1]  }
0x2b: {  	s6 =	sld [smem:$0x3FB2]  }
0x2c: {  	s7 =	sld [smem:$0x3FB3]  }
0x2d: {  	s3 =	simm.s32 $0x108;
	s8 =	sld [smem:$0x3FB4]  }
0x2e: {  	s3 =	simm.s32 @!p0 $0x1082;
	s9 =	sld [smem:$0x3FB5]  }
0x2f: {  	lr =	sadd.s32 s0, s3;
	s0 =	sld [smem:$0x3FAC]  }
0x30: {  	s3 =	sld [smem:$0x3FAF]  }
0x31: {  	[smem:$0x3FB8] =	sst s10  }
0x32: {  	s10 =	sld [smem:$0x3FB6];
	_ =	sdelay $0x3  }
0x33: {  	p0 =	seq.s32 s10, $0x1;
	s10 =	sld [smem:$0x3FB8];
	_ =	sdelay $0x3  }
0x34: {  	[smem:$0x3FB8] =	sst s10  }
0x35: {  	s10 =	sld [smem:$0x3FB7];
	_ =	sdelay $0x3  }
0x36: {  	p1 =	seq.s32 s10, $0x1;
	s10 =	sld [smem:$0x3FB8];
	_ =	sdelay $0x3  }
0x37: {  	[smem:$0x3FB8] =	sst s10  }
0x38: {  	s10 =	sld [smem:$0x3FB9]  }
0x39: {  	_ = 	snop;
	(pc) =	sbr.ind lr, $3  }
0x3a: {  	_ = 	snop  }
0x3b: {  	_ = 	snop  }
0x3c: {  	p2 =	seq.s32 s10, $0x1;
	s10 =	sld [smem:$0x3FB8]  }
0x3d: {  	_ =	shalt  }
0x3e: {  	_ =	shalt  }
0x3f: {  	_ =	shalt  }
0x40: {  	_ =	shalt  }
0x41: {  	_ =	shalt  }
0x42: {  	_ =	shalt  }
0x43: {  	_ =	shalt  }
0x44: {  	_ =	shalt  }
0x45: {  	_ =	shalt  }
0x46: {  	_ =	shalt  }
0x47: {  	_ =	shalt  }
0x48: {  	_ =	shalt  }
0x49: {  	_ =	shalt  }
0x4a: {  	_ =	shalt  }
0x4b: {  	_ =	shalt  }
0x4c: {  	_ =	shalt  }
0x4d: {  	_ =	shalt  }
0x4e: {  	_ =	shalt  }
0x4f: {  	_ =	shalt  }
0x50: {  	_ =	shalt  }
0x51: {  	_ =	shalt  }
0x52: {  	_ =	shalt  }
0x53: {  	_ =	shalt  }
0x54: {  	_ =	shalt  }
0x55: {  	_ =	shalt  }
0x56: {  	_ =	shalt  }
0x57: {  	_ =	shalt  }
0x58: {  	_ =	shalt  }
0x59: {  	_ =	shalt  }
0x5a: {  	_ =	shalt  }
0x5b: {  	_ =	shalt  }
0x5c: {  	_ =	shalt  }
0x5d: {  	_ =	shalt  }
0x5e: {  	_ =	shalt  }
0x5f: {  	_ =	shalt  }
0x60: {  	_ =	shalt  }
0x61: {  	_ =	shalt  }
0x62: {  	_ =	shalt  }
0x63: {  	_ =	shalt  }
0x64: {  	_ =	shalt  }
0x65: {  	_ =	shalt  }
0x66: {  	_ =	shalt  }
0x67: {  	_ =	shalt  }
0x68: {  	_ =	shalt  }
0x69: {  	_ =	shalt  }
0x6a: {  	_ =	shalt  }
0x6b: {  	_ =	shalt  }
0x6c: {  	_ =	shalt  }
0x6d: {  	_ =	shalt  }
0x6e: {  	_ =	shalt  }
0x6f: {  	_ =	shalt  }
0x70: {  	_ =	shalt  }
0x71: {  	_ =	shalt  }
0x72: {  	_ =	shalt  }
0x73: {  	_ =	shalt  }
0x74: {  	_ =	shalt  }
0x75: {  	_ =	shalt  }
0x76: {  	_ =	shalt  }
0x77: {  	_ =	shalt  }
0x78: {  	_ =	shalt  }
0x79: {  	_ =	shalt  }
0x7a: {  	_ =	shalt  }
0x7b: {  	_ =	shalt  }
0x7c: {  	_ =	shalt  }
0x7d: {  	_ =	shalt  }
0x7e: {  	_ =	shalt  }
0x7f: {  	_ =	shalt  }
0x80: {  	_ =	shalt  }
0x81: {  	_ =	shalt  }
0x82: {  	_ =	shalt  }
0x83: {  	_ =	shalt  }
0x84: {  	_ =	shalt  }
0x85: {  	_ =	shalt  }
0x86: {  	_ =	shalt  }
0x87: {  	_ =	shalt  }
.Lfunc_end0:
.L_simem_size_0:
called_computation_lowered:
.L_overlay_start_0:
0x88: {  	s2 =	sld [smem:$0x3FD9]  }
0x89: {  	s3 =	sld [smem:$0x3FFE];
	_ =	sdelay $0x1  }
0x8a: {  	s1 =	srdreg.scid  }
0x8b: {  	s0 =	sand.u32 $0x1, s1  }
0x8c: {  	s14 =	sshll.u32 s0, $0xA;
	s2 =	sadd.s32 s3, s2  }
0x8d: {  	s2 =	sadd.s32 s2, s14  }
0x8e: {  	[smem:$0x3FC4] =	sst s2  }
0x8f: {  	_ = 	snop  }
0x90: {  	s2 =	sld [smem:$0x3FD0];
	_ =	sdelay $0x2  }
0x91: {  	s4 =	simm.s32 $0xA;
	s5 =	simm.s32 $0x10;
	s15 =	sld [smem:$0x3FC6]  }
0x92: {  	[smem:s5], [sflag:s4] =	dma.local [hbm:s2], $0x1  }
0x93: {  	_ =	swait.eq [sflag:s4], $0x1  }
0x94: {  	[sflag:s4] =	ssyncset.done $0x0  }
0x95: {  	[sflag:s4] =	ssyncadd.s32 $0xFFFFFFFF  }
0x96: {  	s16 =	sld [smem:$0x10];
	(tm) =	ssettm $0x1  }
0x97: {  	s17 =	sld [smem:$0x3FFB];
	_ =	sdelay $0x3  }
0x98: {  	_ =	strace s17  }
0x99: {  	s4 =	sld [smem:$0x3FFC];
	_ =	sdelay $0x3  }
0x9a: {  	_ =	strace s4  }
0x9b: {  	s4 =	sld [smem:$0x3FFD];
	_ =	sdelay $0x3  }
0x9c: {  	_ =	strace s4  }
0x9d: {  	_ =	strace $0x8FFFFFFF  }
0x9e: {  	s18 =	sld [smem:$0x3FDB];
	_ =	sdelay $0x1  }
0x9f: {  	s19 =	simm.s32 $_scs_section_size  }
0xa0: {  	s6 =	simm.s32 $_size__tile_overlayer_lowered;
	s7 =	simm.s32 $_tile_overlayer_lowered  }
0xa1: {  	s22 =	simm.s32 $0x1BFF;
	s21 =	sshll.u32 s7, $0x1;
	s4 =	sadd.s32 s19, s18  }
0xa2: {  	s8 =	simm.s32 $0x0;
	s20 =	sshll.u32 s6, $0x1;
	s6 =	sadd.s32 s21, s4  }
0xa3: {  	[timem:s8], [sflag:s22] =	dma.local [hbm:s6], s20  }
0xa4: {  	_ =	swait.ge [sflag:s22], s20  }
0xa5: {  	s5 =	ssub.s32 $0x0, s20;
	[sflag:s22] =	ssyncset.done $0x0  }
0xa6: {  	[sflag:s22] =	ssyncadd.s32 s5;
	_ =	sdelay $0x1  }
0xa7: {  	s23 =	simm.s32 $0x1B8B  }
0xa8: {  	_ =	swait.ge [sflag:s23], $0x1  }
0xa9: {  	[sflag:s23] =	ssyncset.done $0x0  }
0xaa: {  	s25 =	simm.s32 $0x1B8E;
	s24 =	sld [smem:$0x3FFE];
	[sflag:s23] =	ssyncadd.s32 $0xFFFFFFFF  }
0xab: {  	s26 =	simm.s32 $execute0_lowered;
	[smem:$0x3FD2] =	sst s25  }
0xac: {  	s6 =	sshll.u32 s26, $0x1;
	_ =	strace $0x80000046;
	[dreg:$0x1] =	wrdreg $0xFFFFFFFF  }
0xad: {  	s28 =	simm.s32 $_size_execute0_lowered;
	s4 =	sadd.s32 s4, s6;
	[dreg:$0x0] =	wrdreg $0x0  }
0xae: {  	s6 =	sshll.u32 s28, $0x1;
	[dreg:$0x2] =	wrdreg s4  }
0xaf: {  	[dreg:$0x3] =	wrdreg s6  }
0xb0: {  	[dreg:$0x4] =	wrdreg $0xC0  }
0xb1: {  	_ =	task [dreg:s8], $0x5FFFF  }
0xb2: {  	[dreg:$0x1] =	wrdreg $0xFFFFFFFF  }
0xb3: {  	[dreg:$0x0] =	wrdreg $0x60  }
0xb4: {  	[dreg:$0x2] =	wrdreg s15  }
0xb5: {  	[dreg:$0x3] =	wrdreg s16  }
0xb6: {  	[dreg:$0x4] =	wrdreg s24  }
0xb7: {  	[dreg:$0x5] =	wrdreg $0x9  }
0xb8: {  	_ =	task.clear_ibuf [dreg:s8], $0x6FFFF;
	_ =	strace $0x90000046  }
0xb9: {  	s29 =	simm.s32 $0x9;
	_ =	strace $0x80000048  }
0xba: {  	_ =	swait.ge [sflag:s29], $0x1  }
0xbb: {  	[sflag:s29] =	ssyncadd.s32 $0xFFFFFFFF  }
0xbc: {  	_ =	strace $0x90000048  }
0xbd: {  	_ =	sfence  }
0xbe: {  	s30 =	sld [smem:$0x0];
	_ =	sdelay $0x2  }
0xbf: {  	s31 =	sshll.u32 s1, $0xD;
	s1 =	sshrl.u32 s1, $0x2  }
0xc0: {  	s3 =	sand.u32 $0x4000, s31;
	s1 =	sadd.s32 s1, s30  }
0xc1: {  	s0 =	sor.u32 s3, s0;
	s1 =	sshll.u32 s1, $0x11  }
0xc2: {  	s0 =	sor.u32 s1, s0  }
0xc3: {  	s0 =	sadd.s32 $0x8F2B, s0  }
0xc4: {  	[sflag:s0] =	ssyncadd.remote.s32 $0x1  }
0xc5: {  	_ =	sfence.sel $0xFFFF  }
0xc6: {  	[dreg:$0x0] =	wrdreg $0xFFFFFFFF;
	(pc) =	sbr.abs _section_cstart, $3  }
0xc7: {  	[dreg:$0x1] =	wrdreg $0xFFFFFFFF  }
0xc8: {  	_ =	task.clear_ibuf [dreg:s8], $0x2FFFF;
	_ =	strace $0x9FFFFFFF  }
0xc9: {  	(tm) =	ssettm $0x7FFFFFFF  }
tec
execute0_lowered:
.L_overlay_start_1:
0x0: {  	(tag) =	ssettag $0x1  }
0x1: {  	s2 =	srdreg.scid;
	s1 =	rddreg [dreg:$0x0]  }
0x2: {  	s0 =	stileid.u32;
	s4 =	rddreg [dreg:$0x1]  }
0x3: {  	s6 =	rddreg [dreg:$0x2];
	s18 =	simm.s32 $0x880;
	s19 =	simm.s32 $0xC80  }
0x4: {  	s20 =	simm.s32 $0x1480;
	s21 =	simm.s32 $0x1880;
	s23 =	simm.s32 $0x2080  }
0x5: {  	s24 =	simm.s32 $0x2480;
	s25 =	simm.s32 $0x2C80;
	s2 =	sand.u32 $0x1, s2  }
0x6: {  	s26 =	simm.s32 $0x3080;
	s3 =	sshll.u32 s0, $0x5;
	s5 =	sshll.u32 s2, $0x4  }
0x7: {  	s9 =	simm.s32 $0x3C80;
	s5 =	sor.u32 s5, s3;
	s3 =	simm.s32 $0x0  }
0x8: {  	s10 =	simm.s32 $0x4480;
	[smem:$0x7FF] =	sst s3;
	s4 =	sadd.s32 s4, s5  }
0x9: {  	s11 =	simm.s32 $0x4880;
	_ =	strace $0x80000047;
	[dreg:$0x4] =	wrdreg s4  }
0xa: {  	s12 =	simm.s32 $0x5080;
	s13 =	simm.s32 $0x5480;
	[dreg:$0x6] =	wrdreg s18  }
0xb: {  	s14 =	simm.s32 $0x5C80;
	s15 =	simm.s32 $0x6080;
	[dreg:$0x7] =	wrdreg s19  }
0xc: {  	s16 =	simm.s32 $0x6880;
	s28 =	simm.s32 $0xA880;
	[dreg:$0x8] =	wrdreg s20  }
0xd: {  	s29 =	simm.s32 $0xB080;
	s30 =	simm.s32 $0xB480;
	[dreg:$0x9] =	wrdreg s21  }
0xe: {  	s31 =	simm.s32 $0xBC80;
	s2 =	ssub.s32 $0x2, s2;
	[dreg:$0xa] =	wrdreg s23  }
0xf: {  	s22 =	sshrl.u32 s2, $0x1;
	s7 =	smul.u32 $0x180, s5;
	[dreg:$0xb] =	wrdreg s24  }
0x10: {  	s2 =	ssub.s32 s2, s22;
	s22 =	simm.s32 $0x8C80;
	[dreg:$0xc] =	wrdreg s25  }
0x11: {  	s4 =	sadd.s32 $0x100, s1;
	s5 =	smax.u32 s2, $0x1;
	[dreg:$0xd] =	wrdreg s26  }
0x12: {  	s18 =	simm.s32 $0x7480;
	s19 =	simm.s32 $0x7880;
	s20 =	simm.s32 $0x8080  }
0x13: {  	s21 =	simm.s32 $0x8480;
	s23 =	simm.s32 $0x9080;
	s24 =	simm.s32 $0x9880  }
0x14: {  	v2 =	vlaneseq.u32;
	s25 =	simm.s32 $0x9C80;
	s26 =	simm.s32 $0xA480;
	s6 =	sadd.s32 s7, s6  }
0x15: {  	vm0 =	vmmov $0xffff;
	vm1 =	vmmov $0xff;
	v1 =	vshrl.u32 v2, $0x3;
	s2 =	simm.s32 $0x1;
	s7 =	simm.s32 $0x80;
	s17 =	sadd.s32 $0xA00, s6  }
0x16: {  	v0 =	vand.u32 $0x7, v2;
	v2 =	vor.u32 $0x8, v2;
	v1 =	vmul.u32 $0x8, v1;
	s6 =	simm.s32 $0x2;
	[dreg:$0x5] =	wrdreg s17;
	s17 =	simm.s32 $0x6C80  }
.LBB2_1:
0x17: {  	s0 =	rddreg [dreg:$0x4]  }
0x18: {  	[tilespmem:s3], [sflag:$0x2] =	stream.linear.gather [hbm4b:s0+s3], $0x80, $0x38;
	[tilespmem:$0xC080] =	vst v63  }
0x19: {  	_ =	swait.ge [sflag:s6], $0x80  }
0x1a: {  	[sflag:s6] =	ssyncset.done $0x0  }
0x1b: {  	[sflag:s6] =	ssyncadd.s32 $0xFFFFFF80  }
0x1c: {  	v3 =	vld [tilespmem:$0x0];
	_ =	sdelay $0x4  }
0x1d: {  	v4 =	vshrl.u32 v3, $0x3  }
0x1e: {  	v4 =	vmul.u32 $0x18, v4  }
0x1f: {  	v3 =	vand.u32 $0x7, v3  }
0x20: {  	v3 =	vor.u32 v3, v4  }
0x21: {  	v4 =	vperm.xlane v3, v0;
	_ =	sdelay $0x1  }
0x22: {  	v4 =	vadd.s32 v1, v4;
	_ =	sdelay $0x1  }
0x23: {  	v3 =	vperm.xlane v3, v2;
	_ =	sdelay $0x1  }
0x24: {  	v3 =	vadd.s32 v1, v3  }
0x25: {  	[tilespmem:s7], [sflag:$0x1] =	stream.indirect_vreg.gather [hbm4b:s1+s3], $0x80, v4, vm0, $0xb8;
	[tilespmem:$0xC080] =	vst v63  }
0x26: {  	s0 =	rddreg [dreg:$0x6]  }
0x27: {  	[tilespmem:s0], [sflag:$0x1] =	stream.indirect_vreg.gather [hbm4b:s4+s3], $0x80, v4, vm1, $0xb8;
	[tilespmem:$0xC080] =	vst v63  }
0x28: {  	s8 =	rddreg [dreg:$0x7]  }
0x29: {  	[tilespmem:s8], [sflag:$0x1] =	stream.indirect_vreg.gather [hbm4b:s1+s3], $0x80, v3, vm0, $0xb8;
	[tilespmem:$0xC080] =	vst v63  }
0x2a: {  	s0 =	rddreg [dreg:$0x8]  }
0x2b: {  	[tilespmem:s0], [sflag:$0x1] =	stream.indirect_vreg.gather [hbm4b:s4+s3], $0x80, v3, vm1, $0xb8;
	[tilespmem:$0xC080] =	vst v63  }
0x2c: {  	v3 =	vld [tilespmem:$0x10];
	_ =	sdelay $0x4  }
0x2d: {  	v57 =	vshrl.u32 v3, $0x3  }
0x2e: {  	v4 =	vmul.u32 $0x18, v57  }
0x2f: {  	v3 =	vand.u32 $0x7, v3  }
0x30: {  	v3 =	vor.u32 v3, v4  }
0x31: {  	v4 =	vperm.xlane v3, v0;
	_ =	sdelay $0x1  }
0x32: {  	v4 =	vadd.s32 v1, v4;
	_ =	sdelay $0x1  }
0x33: {  	v3 =	vperm.xlane v3, v2;
	_ =	sdelay $0x1  }
0x34: {  	s0 =	rddreg [dreg:$0x9];
	v3 =	vadd.s32 v1, v3  }
0x35: {  	[tilespmem:s0], [sflag:$0x1] =	stream.indirect_vreg.gather [hbm4b:s1+s3], $0x80, v4, vm0, $0xb8;
	[tilespmem:$0xC080] =	vst v63  }
0x36: {  	s8 =	rddreg [dreg:$0xa]  }
0x37: {  	[tilespmem:s8], [sflag:$0x1] =	stream.indirect_vreg.gather [hbm4b:s4+s3], $0x80, v4, vm1, $0xb8;
	[tilespmem:$0xC080] =	vst v63  }
0x38: {  	s0 =	rddreg [dreg:$0xb]  }
0x39: {  	[tilespmem:s0], [sflag:$0x1] =	stream.indirect_vreg.gather [hbm4b:s1+s3], $0x80, v3, vm0, $0xb8;
	[tilespmem:$0xC080] =	vst v63  }
0x3a: {  	s8 =	rddreg [dreg:$0xc]  }
0x3b: {  	[tilespmem:s8], [sflag:$0x1] =	stream.indirect_vreg.gather [hbm4b:s4+s3], $0x80, v3, vm1, $0xb8;
	[tilespmem:$0xC080] =	vst v63  }
0x3c: {  	v3 =	vld [tilespmem:$0x20];
	_ =	sdelay $0x4  }
0x3d: {  	v58 =	vshrl.u32 v3, $0x3  }
0x3e: {  	v4 =	vmul.u32 $0x18, v58  }
0x3f: {  	v3 =	vand.u32 $0x7, v3  }
0x40: {  	v3 =	vor.u32 v3, v4  }
0x41: {  	v4 =	vperm.xlane v3, v0;
	_ =	sdelay $0x1  }
0x42: {  	v4 =	vadd.s32 v1, v4;
	_ =	sdelay $0x1  }
0x43: {  	v3 =	vperm.xlane v3, v2;
	_ =	sdelay $0x1  }
0x44: {  	s8 =	rddreg [dreg:$0xd];
	v3 =	vadd.s32 v1, v3  }
0x45: {  	[tilespmem:s8], [sflag:$0x1] =	stream.indirect_vreg.gather [hbm4b:s1+s3], $0x80, v4, vm0, $0xb8;
	[tilespmem:$0xC080] =	vst v63  }
0x46: {  	s8 =	simm.s32 $0x3880  }
0x47: {  	[tilespmem:s8], [sflag:$0x1] =	stream.indirect_vreg.gather [hbm4b:s4+s3], $0x80, v4, vm1, $0xb8;
	[tilespmem:$0xC080] =	vst v63  }
0x48: {  	_ = 	snop  }
0x49: {  	[tilespmem:s9], [sflag:$0x1] =	stream.indirect_vreg.gather [hbm4b:s1+s3], $0x80, v3, vm0, $0xb8;
	[tilespmem:$0xC080] =	vst v63  }
0x4a: {  	_ = 	snop  }
0x4b: {  	[tilespmem:s10], [sflag:$0x1] =	stream.indirect_vreg.gather [hbm4b:s4+s3], $0x80, v3, vm1, $0xb8;
	[tilespmem:$0xC080] =	vst v63  }
0x4c: {  	v3 =	vld [tilespmem:$0x30];
	_ =	sdelay $0x4  }
0x4d: {  	v59 =	vshrl.u32 v3, $0x3  }
0x4e: {  	v4 =	vmul.u32 $0x18, v59  }
0x4f: {  	v3 =	vand.u32 $0x7, v3  }
0x50: {  	v3 =	vor.u32 v3, v4  }
0x51: {  	v4 =	vperm.xlane v3, v0;
	_ =	sdelay $0x1  }
0x52: {  	v4 =	vadd.s32 v1, v4;
	_ =	sdelay $0x1  }
0x53: {  	v3 =	vperm.xlane v3, v2;
	_ =	sdelay $0x1  }
0x54: {  	v3 =	vadd.s32 v1, v3  }
0x55: {  	[tilespmem:s11], [sflag:$0x1] =	stream.indirect_vreg.gather [hbm4b:s1+s3], $0x80, v4, vm0, $0xb8;
	[tilespmem:$0xC080] =	vst v63  }
0x56: {  	_ = 	snop  }
0x57: {  	[tilespmem:s12], [sflag:$0x1] =	stream.indirect_vreg.gather [hbm4b:s4+s3], $0x80, v4, vm1, $0xb8;
	[tilespmem:$0xC080] =	vst v63  }
0x58: {  	_ = 	snop  }
0x59: {  	[tilespmem:s13], [sflag:$0x1] =	stream.indirect_vreg.gather [hbm4b:s1+s3], $0x80, v3, vm0, $0xb8;
	[tilespmem:$0xC080] =	vst v63  }
0x5a: {  	_ = 	snop  }
0x5b: {  	[tilespmem:s14], [sflag:$0x1] =	stream.indirect_vreg.gather [hbm4b:s4+s3], $0x80, v3, vm1, $0xb8;
	[tilespmem:$0xC080] =	vst v63  }
0x5c: {  	v3 =	vld [tilespmem:$0x40];
	_ =	sdelay $0x4  }
0x5d: {  	v60 =	vshrl.u32 v3, $0x3  }
0x5e: {  	v4 =	vmul.u32 $0x18, v60  }
0x5f: {  	v3 =	vand.u32 $0x7, v3  }
0x60: {  	v3 =	vor.u32 v3, v4  }
0x61: {  	v4 =	vperm.xlane v3, v0;
	_ =	sdelay $0x1  }
0x62: {  	v4 =	vadd.s32 v1, v4;
	_ =	sdelay $0x1  }
0x63: {  	v3 =	vperm.xlane v3, v2;
	_ =	sdelay $0x1  }
0x64: {  	v3 =	vadd.s32 v1, v3  }
0x65: {  	[tilespmem:s15], [sflag:$0x1] =	stream.indirect_vreg.gather [hbm4b:s1+s3], $0x80, v4, vm0, $0xb8;
	[tilespmem:$0xC080] =	vst v63  }
0x66: {  	_ = 	snop  }
0x67: {  	[tilespmem:s16], [sflag:$0x1] =	stream.indirect_vreg.gather [hbm4b:s4+s3], $0x80, v4, vm1, $0xb8;
	[tilespmem:$0xC080] =	vst v63  }
0x68: {  	_ = 	snop  }
0x69: {  	[tilespmem:s17], [sflag:$0x1] =	stream.indirect_vreg.gather [hbm4b:s1+s3], $0x80, v3, vm0, $0xb8;
	[tilespmem:$0xC080] =	vst v63  }
0x6a: {  	_ = 	snop  }
0x6b: {  	[tilespmem:s18], [sflag:$0x1] =	stream.indirect_vreg.gather [hbm4b:s4+s3], $0x80, v3, vm1, $0xb8;
	[tilespmem:$0xC080] =	vst v63  }
0x6c: {  	v3 =	vld [tilespmem:$0x50];
	_ =	sdelay $0x4  }
0x6d: {  	v61 =	vshrl.u32 v3, $0x3  }
0x6e: {  	v4 =	vmul.u32 $0x18, v61  }
0x6f: {  	v3 =	vand.u32 $0x7, v3  }
0x70: {  	v3 =	vor.u32 v3, v4  }
0x71: {  	v4 =	vperm.xlane v3, v0;
	_ =	sdelay $0x1  }
0x72: {  	v4 =	vadd.s32 v1, v4;
	_ =	sdelay $0x1  }
0x73: {  	v3 =	vperm.xlane v3, v2;
	_ =	sdelay $0x1  }
0x74: {  	v3 =	vadd.s32 v1, v3  }
0x75: {  	[tilespmem:s19], [sflag:$0x1] =	stream.indirect_vreg.gather [hbm4b:s1+s3], $0x80, v4, vm0, $0xb8;
	[tilespmem:$0xC080] =	vst v63  }
0x76: {  	_ = 	snop  }
0x77: {  	[tilespmem:s20], [sflag:$0x1] =	stream.indirect_vreg.gather [hbm4b:s4+s3], $0x80, v4, vm1, $0xb8;
	[tilespmem:$0xC080] =	vst v63  }
0x78: {  	_ = 	snop  }
0x79: {  	[tilespmem:s21], [sflag:$0x1] =	stream.indirect_vreg.gather [hbm4b:s1+s3], $0x80, v3, vm0, $0xb8;
	[tilespmem:$0xC080] =	vst v63  }
0x7a: {  	_ = 	snop  }
0x7b: {  	[tilespmem:s22], [sflag:$0x1] =	stream.indirect_vreg.gather [hbm4b:s4+s3], $0x80, v3, vm1, $0xb8;
	[tilespmem:$0xC080] =	vst v63  }
0x7c: {  	v3 =	vld [tilespmem:$0x60];
	_ =	sdelay $0x4  }
0x7d: {  	v62 =	vshrl.u32 v3, $0x3  }
0x7e: {  	v4 =	vmul.u32 $0x18, v62  }
0x7f: {  	v3 =	vand.u32 $0x7, v3  }
0x80: {  	v3 =	vor.u32 v3, v4  }
0x81: {  	v4 =	vperm.xlane v3, v0;
	_ =	sdelay $0x1  }
0x82: {  	v4 =	vadd.s32 v1, v4;
	_ =	sdelay $0x1  }
0x83: {  	v3 =	vperm.xlane v3, v2;
	_ =	sdelay $0x1  }
0x84: {  	v3 =	vadd.s32 v1, v3  }
0x85: {  	[tilespmem:s23], [sflag:$0x1] =	stream.indirect_vreg.gather [hbm4b:s1+s3], $0x80, v4, vm0, $0xb8;
	[tilespmem:$0xC080] =	vst v63  }
0x86: {  	_ = 	snop  }
0x87: {  	[tilespmem:s24], [sflag:$0x1] =	stream.indirect_vreg.gather [hbm4b:s4+s3], $0x80, v4, vm1, $0xb8;
	[tilespmem:$0xC080] =	vst v63  }
0x88: {  	_ = 	snop  }
0x89: {  	[tilespmem:s25], [sflag:$0x1] =	stream.indirect_vreg.gather [hbm4b:s1+s3], $0x80, v3, vm0, $0xb8;
	[tilespmem:$0xC080] =	vst v63  }
0x8a: {  	_ = 	snop  }
0x8b: {  	[tilespmem:s26], [sflag:$0x1] =	stream.indirect_vreg.gather [hbm4b:s4+s3], $0x80, v3, vm1, $0xb8;
	[tilespmem:$0xC080] =	vst v63  }
0x8c: {  	v3 =	vld [tilespmem:$0x70];
	_ =	sdelay $0x4  }
0x8d: {  	v63 =	vshrl.u32 v3, $0x3  }
0x8e: {  	v4 =	vmul.u32 $0x18, v63  }
0x8f: {  	v3 =	vand.u32 $0x7, v3  }
0x90: {  	v3 =	vor.u32 v3, v4  }
0x91: {  	v4 =	vperm.xlane v3, v0;
	_ =	sdelay $0x1  }
0x92: {  	v4 =	vadd.s32 v1, v4;
	_ =	sdelay $0x1  }
0x93: {  	v3 =	vperm.xlane v3, v2;
	_ =	sdelay $0x1  }
0x94: {  	v3 =	vadd.s32 v1, v3  }
0x95: {  	[tilespmem:s28], [sflag:$0x1] =	stream.indirect_vreg.gather [hbm4b:s1+s3], $0x80, v4, vm0, $0xb8;
	[tilespmem:$0xC080] =	vst v63  }
0x96: {  	_ = 	snop  }
0x97: {  	[tilespmem:s29], [sflag:$0x1] =	stream.indirect_vreg.gather [hbm4b:s4+s3], $0x80, v4, vm1, $0xb8;
	[tilespmem:$0xC080] =	vst v63  }
0x98: {  	_ = 	snop  }
0x99: {  	[tilespmem:s30], [sflag:$0x1] =	stream.indirect_vreg.gather [hbm4b:s1+s3], $0x80, v3, vm0, $0xb8;
	[tilespmem:$0xC080] =	vst v63  }
0x9a: {  	_ = 	snop  }
0x9b: {  	[tilespmem:s31], [sflag:$0x1] =	stream.indirect_vreg.gather [hbm4b:s4+s3], $0x80, v3, vm1, $0xb8;
	[tilespmem:$0xC080] =	vst v63  }
0x9c: {  	_ =	swait.ge [sflag:s2], $0xC000  }
0x9d: {  	p0 =	sne.s32 s5, $0x1;
	[sflag:s2] =	ssyncset.done $0x0  }
.Ltmp0:
0x9e: {  	s8 =	rddreg [dreg:$0x5];
	[sflag:s2] =	ssyncadd.s32 $0xFFFF4000;
	(pc) =	sbr.rel @p0 .LBB2_1-.Ltmp0, $4  }
0x9f: {  	[hbm4b:s8+s3] =	stream.linear.scatter [tilespmem:s7], [sflag:$0x2], $0xC000, $0x38;
	[tilespmem:$0xC080] =	vst v63  }
0xa0: {  	_ =	swait.ge [sflag:s6], $0xC000  }
0xa1: {  	[sflag:s6] =	ssyncset.done $0x0  }
0xa2: {  	s5 =	sadd.s32 $0xFFFFFFFF, s5;
	[sflag:s6] =	ssyncadd.s32 $0xFFFF4000  }
0xa3: {  	_ =	sfence.sel $0x180000  }
0xa4: {  	[bflag:$0x0] =	sbarrier.arrive $0xFFFF  }
0xa5: {  	_ =	strace $0x90000047  }
0xa6: {  	s0 =	stileid.u32;
	[bflag:$0x2] =	sbarrier.arrive $0xFFFF  }
0xa7: {  	p0 =	sne.s32 s0, $0x0;
	s0 =	rddreg [dreg:$0x3]  }
0xa8: {  	s0 =	sadd.s32 @!p0 $0x100000, s0  }
0xa9: {  	[sflag:s0] =	ssyncadd.tile.s32 @!p0 $0x1;
	_ =	shalt  }
.Lfunc_end2:
_tile_overlayer_lowered:
.L_overlay_start_2:
0xaa: {  	(tag) =	ssettag $0x2  }
0xab: {  	s0 =	rddreg [dreg:$0x0];
	s2 =	stileid.u32  }
0xac: {  	s1 =	rddreg [dreg:$0x1];
	p0 =	sne.s32 s2, $0x0  }
0xad: {  	s3 =	rddreg [dreg:$0x2];
	[bflag:$0x3] =	sbarrier.arrive $0xFFFF;
	s2 =	simm.s32 @!p0 $0x1C02  }
0xae: {  	[timem:s3], [sflag:s2] =	dma.local @!p0 [hbm:s0], s1  }
0xaf: {  	s0 =	simm.s32 @!p0 $0x2  }
0xb0: {  	_ =	swait.ge @!p0 [sflag:s0], s1  }
0xb1: {  	s1 =	ssub.s32 @!p0 $0x0, s1;
	[sflag:s0] =	ssyncset.done @!p0 $0x0  }
0xb2: {  	[sflag:s0] =	ssyncadd.s32 @!p0 s1  }
0xb3: {  	[bflag:$0x3] =	sbarrier.arrive $0xFFFF  }
0xb4: {  	_ =	shalt  }

</sc_bundles>
